<compile_context>
chip_gen: v7x
topology: tpu7x:2x2x1
jax: 0.10.2.dev20260603
libtpu: 0.0.44.dev20260713+nightly
codegen_flags: <defaults>
</compile_context>

<pallas_src>
import functools

import jax
import jax.numpy as jnp
from jax import lax
from jax.experimental import pallas as pl
from jax.experimental.pallas import tpu as pltpu
from jax.experimental.pallas import tpu_sc as plsc

_N_ROWS = 10000
_N_UNITS = 2
_LANES = 16


def _lut_body(f_ref, k_ref, b_ref, o_ref):
    absf = jnp.abs(f_ref[0])
    ones = jnp.ones((8, 128), jnp.float32)
    rs8 = lax.dot_general(ones, absf, (((1,), (1,)), ((), ())),
                          precision=lax.Precision.HIGHEST)
    o_ref[...] = jax.nn.sigmoid(rs8[:_N_UNITS] * k_ref[...] + b_ref[...])


def _build_lut(feature, kern, bias):
    return pl.pallas_call(
        _lut_body,
        out_shape=jax.ShapeDtypeStruct((_N_UNITS, _N_ROWS), jnp.float32),
    )(feature, kern.reshape(_N_UNITS, 1), bias.reshape(_N_UNITS, 1))


def _gather_lut(ppi_t, lut, n_edges):
    info = plsc.get_sparse_core_info()
    nc, ns = info.num_cores, info.num_subcores
    nw = nc * ns
    chunk_e = n_edges // nw

    mesh = plsc.VectorSubcoreMesh(core_axis_name="c", subcore_axis_name="s")

    @functools.partial(
        pl.kernel,
        mesh=mesh,
        out_type=jax.ShapeDtypeStruct((_N_UNITS, n_edges), jnp.float32),
        scratch_types=[
            pltpu.VMEM((chunk_e,), jnp.int32),
            pltpu.VMEM((chunk_e,), jnp.int32),
            pltpu.VMEM((_N_ROWS,), jnp.float32),
            pltpu.VMEM((_N_ROWS,), jnp.float32),
            pltpu.VMEM((chunk_e,), jnp.float32),
            pltpu.VMEM((chunk_e,), jnp.float32),
            pltpu.SemaphoreType.DMA,
            pltpu.SemaphoreType.DMA,
            pltpu.SemaphoreType.DMA,
            pltpu.SemaphoreType.DMA,
            pltpu.SemaphoreType.DMA,
            pltpu.SemaphoreType.DMA,
        ],
        compiler_params=pltpu.CompilerParams(
            use_tc_tiling_on_sc=False,
            needs_layout_passes=False,
        ),
    )
    def gather_k(ppi_hbm, lut_hbm, out_hbm,
                 idx0_v, idx1_v, lut0_v, lut1_v, out0_v, out1_v,
                 s0, s1, s2, s3, s4, s5):
        wid = lax.axis_index("s") * nc + lax.axis_index("c")
        base = wid * chunk_e
        n_vec = chunk_e // _LANES
        half_v = n_vec // 2
        half_e = half_v * _LANES
        rest_e = chunk_e - half_e
        cl0 = pltpu.async_copy(lut_hbm.at[0, :], lut0_v, s0)
        ci0a = pltpu.async_copy(
            ppi_hbm.at[0, pl.ds(base, half_e)], idx0_v.at[pl.ds(0, half_e)], s1)
        ci0b = pltpu.async_copy(
            ppi_hbm.at[0, pl.ds(base + half_e, rest_e)],
            idx0_v.at[pl.ds(half_e, rest_e)], s2)
        cl1 = pltpu.async_copy(lut_hbm.at[1, :], lut1_v, s3)
        ci1a = pltpu.async_copy(
            ppi_hbm.at[1, pl.ds(base, half_e)], idx1_v.at[pl.ds(0, half_e)], s4)
        ci1b = pltpu.async_copy(
            ppi_hbm.at[1, pl.ds(base + half_e, rest_e)],
            idx1_v.at[pl.ds(half_e, rest_e)], s5)
        cl0.wait()
        ci0a.wait()

        @plsc.parallel_loop(0, half_v, unroll=8)
        def body0a(i):
            sl = pl.ds(i * _LANES, _LANES)
            out0_v[sl] = plsc.load_gather(lut0_v, [idx0_v[sl]])

        ci0b.wait()

        @plsc.parallel_loop(half_v, n_vec, unroll=8)
        def body0b(i):
            sl = pl.ds(i * _LANES, _LANES)
            out0_v[sl] = plsc.load_gather(lut0_v, [idx0_v[sl]])

        co0 = pltpu.async_copy(out0_v, out_hbm.at[0, pl.ds(base, chunk_e)], s1)
        cl1.wait()
        ci1a.wait()

        @plsc.parallel_loop(0, half_v, unroll=8)
        def body1a(i):
            sl = pl.ds(i * _LANES, _LANES)
            out1_v[sl] = plsc.load_gather(lut1_v, [idx1_v[sl]])

        ci1b.wait()

        @plsc.parallel_loop(half_v, n_vec, unroll=8)
        def body1b(i):
            sl = pl.ds(i * _LANES, _LANES)
            out1_v[sl] = plsc.load_gather(lut1_v, [idx1_v[sl]])

        co1 = pltpu.async_copy(out1_v, out_hbm.at[1, pl.ds(base, chunk_e)], s2)
        co0.wait()
        co1.wait()

    return gather_k(ppi_t, lut)


def kernel(feature, ppi, kernel, bias):
    n_edges = ppi.shape[0]
    lut = _build_lut(feature, kernel, bias)
    out_t = _gather_lut(ppi.T, lut, n_edges)
    return out_t.T[None]

# --- scband reference (transcript-rebuilt; emitter-appended) ---
"""Pipeline reference for scband-ppi-attention-21552145891655 (READ-ONLY COPY).

The authoritative reference and input builder live on the scoring server;
editing this copy changes nothing except your own understanding.
"""

import jax, jax.numpy as jnp
import numpy as np


def setup_inputs(seed: int = 0) -> dict:
    key = jax.random.key(seed)
    k1, k2, k3 = jax.random.split(key, 3)
    feature = jax.random.normal(k1, (1, 10000, 128), dtype=jnp.float32)
    ppi = jax.random.randint(k2, (320000, 2), 0, 10000, dtype=jnp.int32)
    # Learned parameters sized per init_kwargs: units=2
    kernel = jax.random.normal(k3, (2,), dtype=jnp.float32) * 0.5  # glorot-ish for tiny fan
    bias = jnp.zeros((2,), dtype=jnp.float32)
    return {"feature": feature, "ppi": ppi, "kernel": kernel, "bias": bias}


def reference(feature, ppi, kernel, bias):
    # h = tf.gather(feature, ppi, axis=1): [B, E, 2, d_feat]
    h = jnp.take(feature, ppi, axis=1)
    h = jnp.abs(h)
    # reduce over feature dim -> [B, E, 2]
    h = jnp.sum(h, axis=-1)
    # elementwise scale by kernel (units=2 broadcast over last axis)
    h = h * kernel
    # bias_add over last axis
    h = h + bias
    # activation = sigmoid
    h = jax.nn.sigmoid(h)
    return h

if __name__ == "__main__":
    import jax
    _d = setup_inputs()
    print(jax.jit(kernel)(*tuple(_d.values())))

</pallas_src>

<mosaic_0001>
#map = affine_map<(d0, d1) -> (0, 0)>
module attributes {stable_mosaic.version = 14 : i64} {
  func.func @gather_k(%arg0: i32, %arg1: i32, %arg2: memref<2x320000xi32, #tpu.memory_space<hbm>>, %arg3: memref<2x10000xf32, #tpu.memory_space<hbm>>, %arg4: memref<2x320000xf32, #tpu.memory_space<hbm>>, %arg5: memref<10000xi32, #tpu.memory_space<vmem>>, %arg6: memref<10000xi32, #tpu.memory_space<vmem>>, %arg7: memref<10000xf32, #tpu.memory_space<vmem>>, %arg8: memref<10000xf32, #tpu.memory_space<vmem>>, %arg9: memref<10000xf32, #tpu.memory_space<vmem>>, %arg10: memref<10000xf32, #tpu.memory_space<vmem>>, %arg11: memref<!tpu.dma_semaphore, #tpu.memory_space<semaphore_mem>>, %arg12: memref<!tpu.dma_semaphore, #tpu.memory_space<semaphore_mem>>, %arg13: memref<!tpu.dma_semaphore, #tpu.memory_space<semaphore_mem>>, %arg14: memref<!tpu.dma_semaphore, #tpu.memory_space<semaphore_mem>>, %arg15: memref<!tpu.dma_semaphore, #tpu.memory_space<semaphore_mem>>, %arg16: memref<!tpu.dma_semaphore, #tpu.memory_space<semaphore_mem>>) attributes {dimension_semantics = [#tpu.dimension_semantics<core_parallel>, #tpu.dimension_semantics<subcore_parallel>], iteration_bounds = array<i64: 2, 16>, scalar_prefetch = 0 : i64, scratch_operands = 12 : i64, tpu.core_type = #tpu.core_type<sc_vector_subcore>, window_params = [{transform_indices = #map}, {transform_indices = #map}, {transform_indices = #map}]} {
    %mul3A = arith.constant 2 : i32
    %mul3A_0 = arith.muli %arg1, %mul3A : i32
    %add3A = arith.addi %mul3A_0, %arg0 : i32
    %mul3A_1 = arith.constant 10000 : i32
    %mul3A_2 = arith.muli %add3A, %mul3A_1 : i32
    %dma_start3A = arith.constant 0 : i32
    %dma_start3A_3 = arith.constant 0 : i32
    %dma_start3A_4 = tpu.memref_slice %arg3[%dma_start3A, %dma_start3A_3] : memref<2x10000xf32, #tpu.memory_space<hbm>> -> memref<1x10000xf32, #tpu.memory_space<hbm>>
    %dma_start3A_5 = tpu.memref_squeeze %dma_start3A_4 : memref<1x10000xf32, #tpu.memory_space<hbm>> -> memref<10000xf32, #tpu.memory_space<hbm>>
    %dma_start3A_6 = arith.constant 0 : i32
    %dma_start3A_7 = tpu.memref_slice %arg3[%dma_start3A, %dma_start3A_6] : memref<2x10000xf32, #tpu.memory_space<hbm>> -> memref<1x10000xf32, #tpu.memory_space<hbm>>
    %dma_start3A_8 = tpu.memref_squeeze %dma_start3A_7 : memref<1x10000xf32, #tpu.memory_space<hbm>> -> memref<10000xf32, #tpu.memory_space<hbm>>
    tpu.enqueue_dma source(%dma_start3A_8 : memref<10000xf32, #tpu.memory_space<hbm>>) target(%arg7 : memref<10000xf32, #tpu.memory_space<vmem>>) target_semaphore(%arg11 : memref<!tpu.dma_semaphore, #tpu.memory_space<semaphore_mem>>)
    %dma_start3A_9 = arith.constant 0 : i32
    %dma_start3A_10 = arith.constant 0 : i32
    %dma_start3A_11 = tpu.memref_slice %arg5[%dma_start3A_10] : memref<10000xi32, #tpu.memory_space<vmem>> -> memref<4992xi32, #tpu.memory_space<vmem>>
    %dma_start3A_12 = tpu.memref_slice %arg2[%dma_start3A_9, %mul3A_2] : memref<2x320000xi32, #tpu.memory_space<hbm>> -> memref<1x4992xi32, #tpu.memory_space<hbm>>
    %dma_start3A_13 = tpu.memref_squeeze %dma_start3A_12 : memref<1x4992xi32, #tpu.memory_space<hbm>> -> memref<4992xi32, #tpu.memory_space<hbm>>
    %dma_start3A_14 = arith.constant 0 : i32
    %dma_start3A_15 = tpu.memref_slice %arg5[%dma_start3A_14] : memref<10000xi32, #tpu.memory_space<vmem>> -> memref<4992xi32, #tpu.memory_space<vmem>>
    %dma_start3A_16 = tpu.memref_slice %arg2[%dma_start3A_9, %mul3A_2] : memref<2x320000xi32, #tpu.memory_space<hbm>> -> memref<1x4992xi32, #tpu.memory_space<hbm>>
    %dma_start3A_17 = tpu.memref_squeeze %dma_start3A_16 : memref<1x4992xi32, #tpu.memory_space<hbm>> -> memref<4992xi32, #tpu.memory_space<hbm>>
    tpu.enqueue_dma source(%dma_start3A_17 : memref<4992xi32, #tpu.memory_space<hbm>>) target(%dma_start3A_15 : memref<4992xi32, #tpu.memory_space<vmem>>) target_semaphore(%arg12 : memref<!tpu.dma_semaphore, #tpu.memory_space<semaphore_mem>>)
    %add3A_18 = arith.constant 4992 : i32
    %add3A_19 = arith.addi %mul3A_2, %add3A_18 : i32
    %dma_start3A_20 = arith.constant 0 : i32
    %dma_start3A_21 = arith.constant 4992 : i32
    %dma_start3A_22 = tpu.memref_slice %arg5[%dma_start3A_21] : memref<10000xi32, #tpu.memory_space<vmem>> -> memref<5008xi32, #tpu.memory_space<vmem>>
    %dma_start3A_23 = tpu.memref_slice %arg2[%dma_start3A_20, %add3A_19] : memref<2x320000xi32, #tpu.memory_space<hbm>> -> memref<1x5008xi32, #tpu.memory_space<hbm>>
    %dma_start3A_24 = tpu.memref_squeeze %dma_start3A_23 : memref<1x5008xi32, #tpu.memory_space<hbm>> -> memref<5008xi32, #tpu.memory_space<hbm>>
    %dma_start3A_25 = arith.constant 4992 : i32
    %dma_start3A_26 = tpu.memref_slice %arg5[%dma_start3A_25] : memref<10000xi32, #tpu.memory_space<vmem>> -> memref<5008xi32, #tpu.memory_space<vmem>>
    %dma_start3A_27 = tpu.memref_slice %arg2[%dma_start3A_20, %add3A_19] : memref<2x320000xi32, #tpu.memory_space<hbm>> -> memref<1x5008xi32, #tpu.memory_space<hbm>>
    %dma_start3A_28 = tpu.memref_squeeze %dma_start3A_27 : memref<1x5008xi32, #tpu.memory_space<hbm>> -> memref<5008xi32, #tpu.memory_space<hbm>>
    tpu.enqueue_dma source(%dma_start3A_28 : memref<5008xi32, #tpu.memory_space<hbm>>) target(%dma_start3A_26 : memref<5008xi32, #tpu.memory_space<vmem>>) target_semaphore(%arg13 : memref<!tpu.dma_semaphore, #tpu.memory_space<semaphore_mem>>)
    %dma_start3A_29 = arith.constant 1 : i32
    %dma_start3A_30 = arith.constant 0 : i32
    %dma_start3A_31 = tpu.memref_slice %arg3[%dma_start3A_29, %dma_start3A_30] : memref<2x10000xf32, #tpu.memory_space<hbm>> -> memref<1x10000xf32, #tpu.memory_space<hbm>>
    %dma_start3A_32 = tpu.memref_squeeze %dma_start3A_31 : memref<1x10000xf32, #tpu.memory_space<hbm>> -> memref<10000xf32, #tpu.memory_space<hbm>>
    %dma_start3A_33 = arith.constant 0 : i32
    %dma_start3A_34 = tpu.memref_slice %arg3[%dma_start3A_29, %dma_start3A_33] : memref<2x10000xf32, #tpu.memory_space<hbm>> -> memref<1x10000xf32, #tpu.memory_space<hbm>>
    %dma_start3A_35 = tpu.memref_squeeze %dma_start3A_34 : memref<1x10000xf32, #tpu.memory_space<hbm>> -> memref<10000xf32, #tpu.memory_space<hbm>>
    tpu.enqueue_dma source(%dma_start3A_35 : memref<10000xf32, #tpu.memory_space<hbm>>) target(%arg8 : memref<10000xf32, #tpu.memory_space<vmem>>) target_semaphore(%arg14 : memref<!tpu.dma_semaphore, #tpu.memory_space<semaphore_mem>>)
    %dma_start3A_36 = arith.constant 1 : i32
    %dma_start3A_37 = arith.constant 0 : i32
    %dma_start3A_38 = tpu.memref_slice %arg6[%dma_start3A_37] : memref<10000xi32, #tpu.memory_space<vmem>> -> memref<4992xi32, #tpu.memory_space<vmem>>
    %dma_start3A_39 = tpu.memref_slice %arg2[%dma_start3A_36, %mul3A_2] : memref<2x320000xi32, #tpu.memory_space<hbm>> -> memref<1x4992xi32, #tpu.memory_space<hbm>>
    %dma_start3A_40 = tpu.memref_squeeze %dma_start3A_39 : memref<1x4992xi32, #tpu.memory_space<hbm>> -> memref<4992xi32, #tpu.memory_space<hbm>>
    %dma_start3A_41 = arith.constant 0 : i32
    %dma_start3A_42 = tpu.memref_slice %arg6[%dma_start3A_41] : memref<10000xi32, #tpu.memory_space<vmem>> -> memref<4992xi32, #tpu.memory_space<vmem>>
    %dma_start3A_43 = tpu.memref_slice %arg2[%dma_start3A_36, %mul3A_2] : memref<2x320000xi32, #tpu.memory_space<hbm>> -> memref<1x4992xi32, #tpu.memory_space<hbm>>
    %dma_start3A_44 = tpu.memref_squeeze %dma_start3A_43 : memref<1x4992xi32, #tpu.memory_space<hbm>> -> memref<4992xi32, #tpu.memory_space<hbm>>
    tpu.enqueue_dma source(%dma_start3A_44 : memref<4992xi32, #tpu.memory_space<hbm>>) target(%dma_start3A_42 : memref<4992xi32, #tpu.memory_space<vmem>>) target_semaphore(%arg15 : memref<!tpu.dma_semaphore, #tpu.memory_space<semaphore_mem>>)
    %add3A_45 = arith.constant 4992 : i32
    %add3A_46 = arith.addi %mul3A_2, %add3A_45 : i32
    %dma_start3A_47 = arith.constant 1 : i32
    %dma_start3A_48 = arith.constant 4992 : i32
    %dma_start3A_49 = tpu.memref_slice %arg6[%dma_start3A_48] : memref<10000xi32, #tpu.memory_space<vmem>> -> memref<5008xi32, #tpu.memory_space<vmem>>
    %dma_start3A_50 = tpu.memref_slice %arg2[%dma_start3A_47, %add3A_46] : memref<2x320000xi32, #tpu.memory_space<hbm>> -> memref<1x5008xi32, #tpu.memory_space<hbm>>
    %dma_start3A_51 = tpu.memref_squeeze %dma_start3A_50 : memref<1x5008xi32, #tpu.memory_space<hbm>> -> memref<5008xi32, #tpu.memory_space<hbm>>
    %dma_start3A_52 = arith.constant 4992 : i32
    %dma_start3A_53 = tpu.memref_slice %arg6[%dma_start3A_52] : memref<10000xi32, #tpu.memory_space<vmem>> -> memref<5008xi32, #tpu.memory_space<vmem>>
    %dma_start3A_54 = tpu.memref_slice %arg2[%dma_start3A_47, %add3A_46] : memref<2x320000xi32, #tpu.memory_space<hbm>> -> memref<1x5008xi32, #tpu.memory_space<hbm>>
    %dma_start3A_55 = tpu.memref_squeeze %dma_start3A_54 : memref<1x5008xi32, #tpu.memory_space<hbm>> -> memref<5008xi32, #tpu.memory_space<hbm>>
    tpu.enqueue_dma source(%dma_start3A_55 : memref<5008xi32, #tpu.memory_space<hbm>>) target(%dma_start3A_53 : memref<5008xi32, #tpu.memory_space<vmem>>) target_semaphore(%arg16 : memref<!tpu.dma_semaphore, #tpu.memory_space<semaphore_mem>>)
    %dma_wait3A = arith.constant 0 : i32
    %dma_wait3A_56 = arith.constant 0 : i32
    %dma_wait3A_57 = tpu.memref_slice %arg3[%dma_wait3A, %dma_wait3A_56] : memref<2x10000xf32, #tpu.memory_space<hbm>> -> memref<1x10000xf32, #tpu.memory_space<hbm>>
    %dma_wait3A_58 = tpu.memref_squeeze %dma_wait3A_57 : memref<1x10000xf32, #tpu.memory_space<hbm>> -> memref<10000xf32, #tpu.memory_space<hbm>>
    %dma_wait3A_59 = arith.constant 0 : i32
    %dma_wait3A_60 = tpu.memref_slice %arg3[%dma_wait3A, %dma_wait3A_59] : memref<2x10000xf32, #tpu.memory_space<hbm>> -> memref<1x10000xf32, #tpu.memory_space<hbm>>
    %dma_wait3A_61 = tpu.memref_squeeze %dma_wait3A_60 : memref<1x10000xf32, #tpu.memory_space<hbm>> -> memref<10000xf32, #tpu.memory_space<hbm>>
    tpu.wait_dma2 semaphore(%arg11 : memref<!tpu.dma_semaphore, #tpu.memory_space<semaphore_mem>>) src(%dma_wait3A_61 : memref<10000xf32, #tpu.memory_space<hbm>>) dst(%arg7 : memref<10000xf32, #tpu.memory_space<vmem>>)
    %dma_wait3A_62 = arith.constant 0 : i32
    %dma_wait3A_63 = arith.constant 0 : i32
    %dma_wait3A_64 = tpu.memref_slice %arg5[%dma_wait3A_63] : memref<10000xi32, #tpu.memory_space<vmem>> -> memref<4992xi32, #tpu.memory_space<vmem>>
    %dma_wait3A_65 = tpu.memref_slice %arg2[%dma_wait3A_62, %mul3A_2] : memref<2x320000xi32, #tpu.memory_space<hbm>> -> memref<1x4992xi32, #tpu.memory_space<hbm>>
    %dma_wait3A_66 = tpu.memref_squeeze %dma_wait3A_65 : memref<1x4992xi32, #tpu.memory_space<hbm>> -> memref<4992xi32, #tpu.memory_space<hbm>>
    %dma_wait3A_67 = arith.constant 0 : i32
    %dma_wait3A_68 = tpu.memref_slice %arg5[%dma_wait3A_67] : memref<10000xi32, #tpu.memory_space<vmem>> -> memref<4992xi32, #tpu.memory_space<vmem>>
    %dma_wait3A_69 = tpu.memref_slice %arg2[%dma_wait3A_62, %mul3A_2] : memref<2x320000xi32, #tpu.memory_space<hbm>> -> memref<1x4992xi32, #tpu.memory_space<hbm>>
    %dma_wait3A_70 = tpu.memref_squeeze %dma_wait3A_69 : memref<1x4992xi32, #tpu.memory_space<hbm>> -> memref<4992xi32, #tpu.memory_space<hbm>>
    tpu.wait_dma2 semaphore(%arg12 : memref<!tpu.dma_semaphore, #tpu.memory_space<semaphore_mem>>) src(%dma_wait3A_70 : memref<4992xi32, #tpu.memory_space<hbm>>) dst(%dma_wait3A_68 : memref<4992xi32, #tpu.memory_space<vmem>>)
    %parallel_loop3A = arith.constant 0 : i32
    %parallel_loop3A_71 = arith.constant 312 : i32
    %parallel_loop3A_72 = arith.constant 1 : i32
    scf.for %parallel_loop3A_136 = %parallel_loop3A to %parallel_loop3A_71 step %parallel_loop3A_72  : i32 {
      %parallel_loop3A_137 = arith.constant 16 : i32
      %parallel_loop3A_138 = arith.muli %parallel_loop3A_136, %parallel_loop3A_137 : i32
      %parallel_loop3A_139 = arith.index_cast %parallel_loop3A_138 : i32 to index
      %parallel_loop3A_140 = tpu.vector_load %arg5[%parallel_loop3A_139] {strides = array<i32>} : memref<10000xi32, #tpu.memory_space<vmem>>, vector<16xi32>,
      %parallel_loop3A_141 = tpu.vector_load_idx %arg7[%parallel_loop3A_140] : memref<10000xf32, #tpu.memory_space<vmem>>[vector<16xi32>], vector<16xf32>,
      %parallel_loop3A_142 = arith.index_cast %parallel_loop3A_138 : i32 to index
      %parallel_loop3A_143 = tpu.vector_load %arg9[%parallel_loop3A_142] {strides = array<i32>} : memref<10000xf32, #tpu.memory_space<vmem>>, vector<16xf32>,
      tpu.vector_store %arg9[%parallel_loop3A_142], %parallel_loop3A_141 {strides = array<i32>} : memref<10000xf32, #tpu.memory_space<vmem>>, vector<16xf32>,
    } {sc.loop_unroll_factor = 8 : i64, sc.parallel_access}
    %dma_wait3A_73 = arith.constant 0 : i32
    %dma_wait3A_74 = arith.constant 4992 : i32
    %dma_wait3A_75 = tpu.memref_slice %arg5[%dma_wait3A_74] : memref<10000xi32, #tpu.memory_space<vmem>> -> memref<5008xi32, #tpu.memory_space<vmem>>
    %dma_wait3A_76 = tpu.memref_slice %arg2[%dma_wait3A_73, %add3A_19] : memref<2x320000xi32, #tpu.memory_space<hbm>> -> memref<1x5008xi32, #tpu.memory_space<hbm>>
    %dma_wait3A_77 = tpu.memref_squeeze %dma_wait3A_76 : memref<1x5008xi32, #tpu.memory_space<hbm>> -> memref<5008xi32, #tpu.memory_space<hbm>>
    %dma_wait3A_78 = arith.constant 4992 : i32
    %dma_wait3A_79 = tpu.memref_slice %arg5[%dma_wait3A_78] : memref<10000xi32, #tpu.memory_space<vmem>> -> memref<5008xi32, #tpu.memory_space<vmem>>
    %dma_wait3A_80 = tpu.memref_slice %arg2[%dma_wait3A_73, %add3A_19] : memref<2x320000xi32, #tpu.memory_space<hbm>> -> memref<1x5008xi32, #tpu.memory_space<hbm>>
    %dma_wait3A_81 = tpu.memref_squeeze %dma_wait3A_80 : memref<1x5008xi32, #tpu.memory_space<hbm>> -> memref<5008xi32, #tpu.memory_space<hbm>>
    tpu.wait_dma2 semaphore(%arg13 : memref<!tpu.dma_semaphore, #tpu.memory_space<semaphore_mem>>) src(%dma_wait3A_81 : memref<5008xi32, #tpu.memory_space<hbm>>) dst(%dma_wait3A_79 : memref<5008xi32, #tpu.memory_space<vmem>>)
    %parallel_loop3A_82 = arith.constant 312 : i32
    %parallel_loop3A_83 = arith.constant 625 : i32
    %parallel_loop3A_84 = arith.constant 1 : i32
    scf.for %parallel_loop3A_136 = %parallel_loop3A_82 to %parallel_loop3A_83 step %parallel_loop3A_84  : i32 {
      %parallel_loop3A_137 = arith.constant 16 : i32
      %parallel_loop3A_138 = arith.muli %parallel_loop3A_136, %parallel_loop3A_137 : i32
      %parallel_loop3A_139 = arith.index_cast %parallel_loop3A_138 : i32 to index
      %parallel_loop3A_140 = tpu.vector_load %arg5[%parallel_loop3A_139] {strides = array<i32>} : memref<10000xi32, #tpu.memory_space<vmem>>, vector<16xi32>,
      %parallel_loop3A_141 = tpu.vector_load_idx %arg7[%parallel_loop3A_140] : memref<10000xf32, #tpu.memory_space<vmem>>[vector<16xi32>], vector<16xf32>,
      %parallel_loop3A_142 = arith.index_cast %parallel_loop3A_138 : i32 to index
      %parallel_loop3A_143 = tpu.vector_load %arg9[%parallel_loop3A_142] {strides = array<i32>} : memref<10000xf32, #tpu.memory_space<vmem>>, vector<16xf32>,
      tpu.vector_store %arg9[%parallel_loop3A_142], %parallel_loop3A_141 {strides = array<i32>} : memref<10000xf32, #tpu.memory_space<vmem>>, vector<16xf32>,
    } {sc.loop_unroll_factor = 8 : i64, sc.parallel_access}
    %dma_start3A_85 = arith.constant 0 : i32
    %dma_start3A_86 = tpu.memref_slice %arg4[%dma_start3A_85, %mul3A_2] : memref<2x320000xf32, #tpu.memory_space<hbm>> -> memref<1x10000xf32, #tpu.memory_space<hbm>>
    %dma_start3A_87 = tpu.memref_squeeze %dma_start3A_86 : memref<1x10000xf32, #tpu.memory_space<hbm>> -> memref<10000xf32, #tpu.memory_space<hbm>>
    %dma_start3A_88 = tpu.memref_slice %arg4[%dma_start3A_85, %mul3A_2] : memref<2x320000xf32, #tpu.memory_space<hbm>> -> memref<1x10000xf32, #tpu.memory_space<hbm>>
    %dma_start3A_89 = tpu.memref_squeeze %dma_start3A_88 : memref<1x10000xf32, #tpu.memory_space<hbm>> -> memref<10000xf32, #tpu.memory_space<hbm>>
    tpu.enqueue_dma source(%arg9 : memref<10000xf32, #tpu.memory_space<vmem>>) target(%dma_start3A_89 : memref<10000xf32, #tpu.memory_space<hbm>>) target_semaphore(%arg12 : memref<!tpu.dma_semaphore, #tpu.memory_space<semaphore_mem>>)
    %dma_wait3A_90 = arith.constant 1 : i32
    %dma_wait3A_91 = arith.constant 0 : i32
    %dma_wait3A_92 = tpu.memref_slice %arg3[%dma_wait3A_90, %dma_wait3A_91] : memref<2x10000xf32, #tpu.memory_space<hbm>> -> memref<1x10000xf32, #tpu.memory_space<hbm>>
    %dma_wait3A_93 = tpu.memref_squeeze %dma_wait3A_92 : memref<1x10000xf32, #tpu.memory_space<hbm>> -> memref<10000xf32, #tpu.memory_space<hbm>>
    %dma_wait3A_94 = arith.constant 0 : i32
    %dma_wait3A_95 = tpu.memref_slice %arg3[%dma_wait3A_90, %dma_wait3A_94] : memref<2x10000xf32, #tpu.memory_space<hbm>> -> memref<1x10000xf32, #tpu.memory_space<hbm>>
    %dma_wait3A_96 = tpu.memref_squeeze %dma_wait3A_95 : memref<1x10000xf32, #tpu.memory_space<hbm>> -> memref<10000xf32, #tpu.memory_space<hbm>>
    tpu.wait_dma2 semaphore(%arg14 : memref<!tpu.dma_semaphore, #tpu.memory_space<semaphore_mem>>) src(%dma_wait3A_96 : memref<10000xf32, #tpu.memory_space<hbm>>) dst(%arg8 : memref<10000xf32, #tpu.memory_space<vmem>>)
    %dma_wait3A_97 = arith.constant 1 : i32
    %dma_wait3A_98 = arith.constant 0 : i32
    %dma_wait3A_99 = tpu.memref_slice %arg6[%dma_wait3A_98] : memref<10000xi32, #tpu.memory_space<vmem>> -> memref<4992xi32, #tpu.memory_space<vmem>>
    %dma_wait3A_100 = tpu.memref_slice %arg2[%dma_wait3A_97, %mul3A_2] : memref<2x320000xi32, #tpu.memory_space<hbm>> -> memref<1x4992xi32, #tpu.memory_space<hbm>>
    %dma_wait3A_101 = tpu.memref_squeeze %dma_wait3A_100 : memref<1x4992xi32, #tpu.memory_space<hbm>> -> memref<4992xi32, #tpu.memory_space<hbm>>
    %dma_wait3A_102 = arith.constant 0 : i32
    %dma_wait3A_103 = tpu.memref_slice %arg6[%dma_wait3A_102] : memref<10000xi32, #tpu.memory_space<vmem>> -> memref<4992xi32, #tpu.memory_space<vmem>>
    %dma_wait3A_104 = tpu.memref_slice %arg2[%dma_wait3A_97, %mul3A_2] : memref<2x320000xi32, #tpu.memory_space<hbm>> -> memref<1x4992xi32, #tpu.memory_space<hbm>>
    %dma_wait3A_105 = tpu.memref_squeeze %dma_wait3A_104 : memref<1x4992xi32, #tpu.memory_space<hbm>> -> memref<4992xi32, #tpu.memory_space<hbm>>
    tpu.wait_dma2 semaphore(%arg15 : memref<!tpu.dma_semaphore, #tpu.memory_space<semaphore_mem>>) src(%dma_wait3A_105 : memref<4992xi32, #tpu.memory_space<hbm>>) dst(%dma_wait3A_103 : memref<4992xi32, #tpu.memory_space<vmem>>)
    %parallel_loop3A_106 = arith.constant 0 : i32
    %parallel_loop3A_107 = arith.constant 312 : i32
    %parallel_loop3A_108 = arith.constant 1 : i32
    scf.for %parallel_loop3A_136 = %parallel_loop3A_106 to %parallel_loop3A_107 step %parallel_loop3A_108  : i32 {
      %parallel_loop3A_137 = arith.constant 16 : i32
      %parallel_loop3A_138 = arith.muli %parallel_loop3A_136, %parallel_loop3A_137 : i32
      %parallel_loop3A_139 = arith.index_cast %parallel_loop3A_138 : i32 to index
      %parallel_loop3A_140 = tpu.vector_load %arg6[%parallel_loop3A_139] {strides = array<i32>} : memref<10000xi32, #tpu.memory_space<vmem>>, vector<16xi32>,
      %parallel_loop3A_141 = tpu.vector_load_idx %arg8[%parallel_loop3A_140] : memref<10000xf32, #tpu.memory_space<vmem>>[vector<16xi32>], vector<16xf32>,
      %parallel_loop3A_142 = arith.index_cast %parallel_loop3A_138 : i32 to index
      %parallel_loop3A_143 = tpu.vector_load %arg10[%parallel_loop3A_142] {strides = array<i32>} : memref<10000xf32, #tpu.memory_space<vmem>>, vector<16xf32>,
      tpu.vector_store %arg10[%parallel_loop3A_142], %parallel_loop3A_141 {strides = array<i32>} : memref<10000xf32, #tpu.memory_space<vmem>>, vector<16xf32>,
    } {sc.loop_unroll_factor = 8 : i64, sc.parallel_access}
    %dma_wait3A_109 = arith.constant 1 : i32
    %dma_wait3A_110 = arith.constant 4992 : i32
    %dma_wait3A_111 = tpu.memref_slice %arg6[%dma_wait3A_110] : memref<10000xi32, #tpu.memory_space<vmem>> -> memref<5008xi32, #tpu.memory_space<vmem>>
    %dma_wait3A_112 = tpu.memref_slice %arg2[%dma_wait3A_109, %add3A_46] : memref<2x320000xi32, #tpu.memory_space<hbm>> -> memref<1x5008xi32, #tpu.memory_space<hbm>>
    %dma_wait3A_113 = tpu.memref_squeeze %dma_wait3A_112 : memref<1x5008xi32, #tpu.memory_space<hbm>> -> memref<5008xi32, #tpu.memory_space<hbm>>
    %dma_wait3A_114 = arith.constant 4992 : i32
    %dma_wait3A_115 = tpu.memref_slice %arg6[%dma_wait3A_114] : memref<10000xi32, #tpu.memory_space<vmem>> -> memref<5008xi32, #tpu.memory_space<vmem>>
    %dma_wait3A_116 = tpu.memref_slice %arg2[%dma_wait3A_109, %add3A_46] : memref<2x320000xi32, #tpu.memory_space<hbm>> -> memref<1x5008xi32, #tpu.memory_space<hbm>>
    %dma_wait3A_117 = tpu.memref_squeeze %dma_wait3A_116 : memref<1x5008xi32, #tpu.memory_space<hbm>> -> memref<5008xi32, #tpu.memory_space<hbm>>
    tpu.wait_dma2 semaphore(%arg16 : memref<!tpu.dma_semaphore, #tpu.memory_space<semaphore_mem>>) src(%dma_wait3A_117 : memref<5008xi32, #tpu.memory_space<hbm>>) dst(%dma_wait3A_115 : memref<5008xi32, #tpu.memory_space<vmem>>)
    %parallel_loop3A_118 = arith.constant 312 : i32
    %parallel_loop3A_119 = arith.constant 625 : i32
    %parallel_loop3A_120 = arith.constant 1 : i32
    scf.for %parallel_loop3A_136 = %parallel_loop3A_118 to %parallel_loop3A_119 step %parallel_loop3A_120  : i32 {
      %parallel_loop3A_137 = arith.constant 16 : i32
      %parallel_loop3A_138 = arith.muli %parallel_loop3A_136, %parallel_loop3A_137 : i32
      %parallel_loop3A_139 = arith.index_cast %parallel_loop3A_138 : i32 to index
      %parallel_loop3A_140 = tpu.vector_load %arg6[%parallel_loop3A_139] {strides = array<i32>} : memref<10000xi32, #tpu.memory_space<vmem>>, vector<16xi32>,
      %parallel_loop3A_141 = tpu.vector_load_idx %arg8[%parallel_loop3A_140] : memref<10000xf32, #tpu.memory_space<vmem>>[vector<16xi32>], vector<16xf32>,
      %parallel_loop3A_142 = arith.index_cast %parallel_loop3A_138 : i32 to index
      %parallel_loop3A_143 = tpu.vector_load %arg10[%parallel_loop3A_142] {strides = array<i32>} : memref<10000xf32, #tpu.memory_space<vmem>>, vector<16xf32>,
      tpu.vector_store %arg10[%parallel_loop3A_142], %parallel_loop3A_141 {strides = array<i32>} : memref<10000xf32, #tpu.memory_space<vmem>>, vector<16xf32>,
    } {sc.loop_unroll_factor = 8 : i64, sc.parallel_access}
    %dma_start3A_121 = arith.constant 1 : i32
    %dma_start3A_122 = tpu.memref_slice %arg4[%dma_start3A_121, %mul3A_2] : memref<2x320000xf32, #tpu.memory_space<hbm>> -> memref<1x10000xf32, #tpu.memory_space<hbm>>
    %dma_start3A_123 = tpu.memref_squeeze %dma_start3A_122 : memref<1x10000xf32, #tpu.memory_space<hbm>> -> memref<10000xf32, #tpu.memory_space<hbm>>
    %dma_start3A_124 = tpu.memref_slice %arg4[%dma_start3A_121, %mul3A_2] : memref<2x320000xf32, #tpu.memory_space<hbm>> -> memref<1x10000xf32, #tpu.memory_space<hbm>>
    %dma_start3A_125 = tpu.memref_squeeze %dma_start3A_124 : memref<1x10000xf32, #tpu.memory_space<hbm>> -> memref<10000xf32, #tpu.memory_space<hbm>>
    tpu.enqueue_dma source(%arg10 : memref<10000xf32, #tpu.memory_space<vmem>>) target(%dma_start3A_125 : memref<10000xf32, #tpu.memory_space<hbm>>) target_semaphore(%arg13 : memref<!tpu.dma_semaphore, #tpu.memory_space<semaphore_mem>>)
    %dma_wait3A_126 = arith.constant 0 : i32
    %dma_wait3A_127 = tpu.memref_slice %arg4[%dma_wait3A_126, %mul3A_2] : memref<2x320000xf32, #tpu.memory_space<hbm>> -> memref<1x10000xf32, #tpu.memory_space<hbm>>
    %dma_wait3A_128 = tpu.memref_squeeze %dma_wait3A_127 : memref<1x10000xf32, #tpu.memory_space<hbm>> -> memref<10000xf32, #tpu.memory_space<hbm>>
    %dma_wait3A_129 = tpu.memref_slice %arg4[%dma_wait3A_126, %mul3A_2] : memref<2x320000xf32, #tpu.memory_space<hbm>> -> memref<1x10000xf32, #tpu.memory_space<hbm>>
    %dma_wait3A_130 = tpu.memref_squeeze %dma_wait3A_129 : memref<1x10000xf32, #tpu.memory_space<hbm>> -> memref<10000xf32, #tpu.memory_space<hbm>>
    tpu.wait_dma2 semaphore(%arg12 : memref<!tpu.dma_semaphore, #tpu.memory_space<semaphore_mem>>) src(%arg9 : memref<10000xf32, #tpu.memory_space<vmem>>) dst(%dma_wait3A_130 : memref<10000xf32, #tpu.memory_space<hbm>>)
    %dma_wait3A_131 = arith.constant 1 : i32
    %dma_wait3A_132 = tpu.memref_slice %arg4[%dma_wait3A_131, %mul3A_2] : memref<2x320000xf32, #tpu.memory_space<hbm>> -> memref<1x10000xf32, #tpu.memory_space<hbm>>
    %dma_wait3A_133 = tpu.memref_squeeze %dma_wait3A_132 : memref<1x10000xf32, #tpu.memory_space<hbm>> -> memref<10000xf32, #tpu.memory_space<hbm>>
    %dma_wait3A_134 = tpu.memref_slice %arg4[%dma_wait3A_131, %mul3A_2] : memref<2x320000xf32, #tpu.memory_space<hbm>> -> memref<1x10000xf32, #tpu.memory_space<hbm>>
    %dma_wait3A_135 = tpu.memref_squeeze %dma_wait3A_134 : memref<1x10000xf32, #tpu.memory_space<hbm>> -> memref<10000xf32, #tpu.memory_space<hbm>>
    tpu.wait_dma2 semaphore(%arg13 : memref<!tpu.dma_semaphore, #tpu.memory_space<semaphore_mem>>) src(%arg10 : memref<10000xf32, #tpu.memory_space<vmem>>) dst(%dma_wait3A_135 : memref<10000xf32, #tpu.memory_space<hbm>>)
    return
  }
}

module attributes {stable_mosaic.version = 14 : i64} {
  func.func @_lut_body(%arg0: memref<1x10000x128xf32, #tpu.memory_space<vmem>>, %arg1: memref<2x1xf32, #tpu.memory_space<vmem>>, %arg2: memref<2x1xf32, #tpu.memory_space<vmem>>, %arg3: memref<2x10000xf32, #tpu.memory_space<vmem>>) attributes {dimension_semantics = [], scalar_prefetch = 0 : i64, scratch_operands = 0 : i64, tpu.core_type = #tpu.core_type<tc>} {
    %get3A = arith.constant 0 : index
    %get3A_0 = arith.constant 0 : index
    %get3A_1 = arith.constant 0 : index
    %get3A_2 = vector.load %arg0[%get3A, %get3A_0, %get3A_1] : memref<1x10000x128xf32, #tpu.memory_space<vmem>>, vector<1x10000x128xf32>
    %get3A_3 = vector.shape_cast %get3A_2 : vector<1x10000x128xf32> to vector<10000x128xf32>
    %abs3A = math.absf %get3A_3 : vector<10000x128xf32>
    %broadcast_in_dim3A = arith.constant 1.000000e+00 : f32
    %broadcast_in_dim3A_4 = vector.broadcast %broadcast_in_dim3A : f32 to vector<8x128xf32>
    %dot_general3A = arith.constant dense<0.000000e+00> : vector<8x10000xf32>
    %dot_general3A_5 = tpu.matmul %broadcast_in_dim3A_4, %abs3A, %dot_general3A {dimension_numbers = #tpu.dot_dimension_numbers<[1], [1], [0], [0], [0, 0, 1, 0], [], []>, precision = #tpu.contract_precision<fp32>, transpose_lhs_hint = false} : vector<8x128xf32>, vector<10000x128xf32>, vector<8x10000xf32> -> vector<8x10000xf32>
    %slice3A = vector.extract_strided_slice %dot_general3A_5 {offsets = [0, 0], sizes = [2, 10000], strides = [1, 1]} : vector<8x10000xf32> to vector<2x10000xf32>
    %get3A_6 = arith.constant 0 : index
    %get3A_7 = arith.constant 0 : index
    %get3A_8 = vector.load %arg1[%get3A_6, %get3A_7] : memref<2x1xf32, #tpu.memory_space<vmem>>, vector<2x1xf32>
    %mul3A = vector.broadcast %get3A_8 : vector<2x1xf32> to vector<2x10000xf32>
    %mul3A_9 = arith.mulf %slice3A, %mul3A : vector<2x10000xf32>
    %get3A_10 = arith.constant 0 : index
    %get3A_11 = arith.constant 0 : index
    %get3A_12 = vector.load %arg2[%get3A_10, %get3A_11] : memref<2x1xf32, #tpu.memory_space<vmem>>, vector<2x1xf32>
    %add3A = vector.broadcast %get3A_12 : vector<2x1xf32> to vector<2x10000xf32>
    %add3A_13 = arith.addf %mul3A_9, %add3A : vector<2x10000xf32>
    %logistic3A = arith.negf %add3A_13 : vector<2x10000xf32>
    %logistic3A_14 = math.exp %logistic3A : vector<2x10000xf32>
    %logistic3A_15 = arith.constant 1.000000e+00 : f32
    %logistic3A_16 = vector.broadcast %logistic3A_15 : f32 to vector<2x10000xf32>
    %logistic3A_17 = arith.addf %logistic3A_16, %logistic3A_14 : vector<2x10000xf32>
    %logistic3A_18 = arith.divf %logistic3A_16, %logistic3A_17 : vector<2x10000xf32>
    %swap3A = arith.constant 0 : index
    %swap3A_19 = arith.constant 0 : index
    %swap3A_20 = vector.load %arg3[%swap3A, %swap3A_19] : memref<2x10000xf32, #tpu.memory_space<vmem>>, vector<2x10000xf32>
    tpu.vector_store %arg3[%swap3A, %swap3A_19], %logistic3A_18 {strides = array<i32>} : memref<2x10000xf32, #tpu.memory_space<vmem>>, vector<2x10000xf32>,
    return
  }
}

</mosaic_0001>

<sc_bundles>
// kernel: kernel.5.cloned.1.call-start
scs
__scs_entry_jumppad:
0x0: {  	(pc) =	sbr.rel $0x88, $3  }
0x1: {  	(tag) =	ssettag $0x0;
	lr =	simm.s32 $0x1  }
0x2: {  	[smem:$0x3F9D] =	sst lr;
	_ =	strace $0xD0000000  }
0x3: {  	_ = 	snop  }
0x4: {  	_ = 	snop  }
0x5: {  	_ = 	snop  }
0x6: {  	_ = 	snop  }
0x7: {  	_ = 	snop  }
__scs_overlays_trampoline_lowered:
0x8: {  	[smem:$0x3FAC] =	sst s0  }
0x9: {  	[smem:$0x3FAD] =	sst s1  }
0xa: {  	[smem:$0x3FAE] =	sst s2  }
0xb: {  	[smem:$0x3FAF] =	sst s3  }
0xc: {  	[smem:$0x3FB0] =	sst s4  }
0xd: {  	[smem:$0x3FB1] =	sst s5  }
0xe: {  	[smem:$0x3FB2] =	sst s6  }
0xf: {  	[smem:$0x3FB3] =	sst s7  }
0x10: {  	[smem:$0x3FB4] =	sst s8  }
0x11: {  	[smem:$0x3FB5] =	sst s9;
	s0 =	simm.s32 @!p0 $0x0  }
0x12: {  	s1 =	sld [smem:$0x3F9B];
	s0 =	simm.s32 @p0 $0x1  }
0x13: {  	[smem:$0x3FB6] =	sst s0;
	s0 =	simm.s32 @!p1 $0x0  }
0x14: {  	s2 =	sld [smem:$0x3F9A];
	s0 =	simm.s32 @p1 $0x1  }
0x15: {  	[smem:$0x3FB7] =	sst s0;
	s0 =	simm.s32 @!p2 $0x0  }
0x16: {  	s3 =	sld [smem:$0x3FDB];
	s0 =	simm.s32 @p2 $0x1  }
0x17: {  	s4 =	simm.s32 $0x1BF5;
	[smem:$0x3FB9] =	sst s0  }
0x18: {  	s0 =	sld [smem:$0x3F9C];
	_ =	swait.ge [sflag:s4], $0x0  }
0x19: {  	s7 =	sld [smem:$0x3F9D]  }
0x1a: {  	s8 =	sadd.s32 $0xFFFFE003, lr  }
0x1b: {  	s9 =	sadd.s32 $0xFFFFFEF7, lr;
	s5 =	simm.s32 $0xFFFFFFFF;
	p2 =	slt.u32 s8, $0xFFFFF086  }
0x1c: {  	p1 =	slt.u32 s9, $0xF7A;
	s5 =	simm.s32 @!p2 $0x0  }
0x1d: {  	s5 =	simm.s32 @p1 $0x1;
	p0 =	seq.s32 s7, s2  }
0x1e: {  	s7 =	smul.u32 @!p0 $0xF7A, s2;
	p2 =	seq.s32 @!p0 s5, $0x0  }
0x1f: {  	s9 =	smul.u32 $0xF7A, s1;
	s8 =	simm.s32 @!p0 $0x1BF5;
	p2 =	por !p2, p0  }
0x20: {  	[sflag:s8] =	ssyncset.s32 @!p0 $0xFFFFF086;
	s6 =	sadd.s32 @!p0 s3, s7;
	s7 =	simm.s32 @!p0 $0x108  }
0x21: {  	s3 =	sadd.s32 s3, s9;
	s6 =	sadd.s32 @!p0 $0x88, s6;
	s7 =	simm.s32 @p2 $0x1082  }
0x22: {  	[simem:s7], [sflag:s8] =	dma.local @!p0 [hbm:s6], $0xF7A  }
0x23: {  	s9 =	sor.u32 $0xD0000000, s2;
	s6 =	simm.s32 $0x108;
	_ =	swait.ge @!p0 [sflag:s8], $0x0  }
0x24: {  	s3 =	sadd.s32 $0x88, s3;
	s6 =	simm.s32 @!p1 $0x1082;
	[sflag:s4] =	ssyncset.s32 $0xFFFFF086  }
0x25: {  	[simem:s6], [sflag:s4] =	dma.local [hbm:s3], $0xF7A  }
0x26: {  	[smem:$0x3F9D] =	sst s1;
	(tag) =	ssettag s2;
	_ =	strace s9  }
0x27: {  	s1 =	sld [smem:$0x3FAD]  }
0x28: {  	s2 =	sld [smem:$0x3FAE]  }
0x29: {  	s4 =	sld [smem:$0x3FB0]  }
0x2a: {  	p0 =	seq.s32 s5, $0x0;
	s5 =	sld [smem:$0x3FB1]  }
0x2b: {  	s6 =	sld [smem:$0x3FB2]  }
0x2c: {  	s7 =	sld [smem:$0x3FB3]  }
0x2d: {  	s3 =	simm.s32 $0x108;
	s8 =	sld [smem:$0x3FB4]  }
0x2e: {  	s3 =	simm.s32 @!p0 $0x1082;
	s9 =	sld [smem:$0x3FB5]  }
0x2f: {  	lr =	sadd.s32 s0, s3;
	s0 =	sld [smem:$0x3FAC]  }
0x30: {  	s3 =	sld [smem:$0x3FAF]  }
0x31: {  	[smem:$0x3FB8] =	sst s10  }
0x32: {  	s10 =	sld [smem:$0x3FB6];
	_ =	sdelay $0x3  }
0x33: {  	p0 =	seq.s32 s10, $0x1;
	s10 =	sld [smem:$0x3FB8];
	_ =	sdelay $0x3  }
0x34: {  	[smem:$0x3FB8] =	sst s10  }
0x35: {  	s10 =	sld [smem:$0x3FB7];
	_ =	sdelay $0x3  }
0x36: {  	p1 =	seq.s32 s10, $0x1;
	s10 =	sld [smem:$0x3FB8];
	_ =	sdelay $0x3  }
0x37: {  	[smem:$0x3FB8] =	sst s10  }
0x38: {  	s10 =	sld [smem:$0x3FB9]  }
0x39: {  	_ = 	snop;
	(pc) =	sbr.ind lr, $3  }
0x3a: {  	_ = 	snop  }
0x3b: {  	_ = 	snop  }
0x3c: {  	p2 =	seq.s32 s10, $0x1;
	s10 =	sld [smem:$0x3FB8]  }
0x3d: {  	_ =	shalt  }
0x3e: {  	_ =	shalt  }
0x3f: {  	_ =	shalt  }
0x40: {  	_ =	shalt  }
0x41: {  	_ =	shalt  }
0x42: {  	_ =	shalt  }
0x43: {  	_ =	shalt  }
0x44: {  	_ =	shalt  }
0x45: {  	_ =	shalt  }
0x46: {  	_ =	shalt  }
0x47: {  	_ =	shalt  }
0x48: {  	_ =	shalt  }
0x49: {  	_ =	shalt  }
0x4a: {  	_ =	shalt  }
0x4b: {  	_ =	shalt  }
0x4c: {  	_ =	shalt  }
0x4d: {  	_ =	shalt  }
0x4e: {  	_ =	shalt  }
0x4f: {  	_ =	shalt  }
0x50: {  	_ =	shalt  }
0x51: {  	_ =	shalt  }
0x52: {  	_ =	shalt  }
0x53: {  	_ =	shalt  }
0x54: {  	_ =	shalt  }
0x55: {  	_ =	shalt  }
0x56: {  	_ =	shalt  }
0x57: {  	_ =	shalt  }
0x58: {  	_ =	shalt  }
0x59: {  	_ =	shalt  }
0x5a: {  	_ =	shalt  }
0x5b: {  	_ =	shalt  }
0x5c: {  	_ =	shalt  }
0x5d: {  	_ =	shalt  }
0x5e: {  	_ =	shalt  }
0x5f: {  	_ =	shalt  }
0x60: {  	_ =	shalt  }
0x61: {  	_ =	shalt  }
0x62: {  	_ =	shalt  }
0x63: {  	_ =	shalt  }
0x64: {  	_ =	shalt  }
0x65: {  	_ =	shalt  }
0x66: {  	_ =	shalt  }
0x67: {  	_ =	shalt  }
0x68: {  	_ =	shalt  }
0x69: {  	_ =	shalt  }
0x6a: {  	_ =	shalt  }
0x6b: {  	_ =	shalt  }
0x6c: {  	_ =	shalt  }
0x6d: {  	_ =	shalt  }
0x6e: {  	_ =	shalt  }
0x6f: {  	_ =	shalt  }
0x70: {  	_ =	shalt  }
0x71: {  	_ =	shalt  }
0x72: {  	_ =	shalt  }
0x73: {  	_ =	shalt  }
0x74: {  	_ =	shalt  }
0x75: {  	_ =	shalt  }
0x76: {  	_ =	shalt  }
0x77: {  	_ =	shalt  }
0x78: {  	_ =	shalt  }
0x79: {  	_ =	shalt  }
0x7a: {  	_ =	shalt  }
0x7b: {  	_ =	shalt  }
0x7c: {  	_ =	shalt  }
0x7d: {  	_ =	shalt  }
0x7e: {  	_ =	shalt  }
0x7f: {  	_ =	shalt  }
0x80: {  	_ =	shalt  }
0x81: {  	_ =	shalt  }
0x82: {  	_ =	shalt  }
0x83: {  	_ =	shalt  }
0x84: {  	_ =	shalt  }
0x85: {  	_ =	shalt  }
0x86: {  	_ =	shalt  }
0x87: {  	_ =	shalt  }
.Lfunc_end0:
.L_simem_size_0:
called_computation_lowered:
.L_overlay_start_0:
0x88: {  	s2 =	sld [smem:$0x3FD9]  }
0x89: {  	s3 =	sld [smem:$0x3FFE];
	_ =	sdelay $0x1  }
0x8a: {  	s1 =	srdreg.scid  }
0x8b: {  	s0 =	sand.u32 $0x1, s1  }
0x8c: {  	s17 =	sshll.u32 s0, $0xA;
	s2 =	sadd.s32 s3, s2  }
0x8d: {  	s2 =	sadd.s32 s2, s17  }
0x8e: {  	[smem:$0x3FC4] =	sst s2  }
0x8f: {  	_ = 	snop  }
0x90: {  	s2 =	sld [smem:$0x3FD0];
	(tm) =	ssettm $0x1  }
0x91: {  	s18 =	sld [smem:$0x3FFB];
	_ =	sdelay $0x3  }
0x92: {  	_ =	strace s18  }
0x93: {  	s3 =	sld [smem:$0x3FFC];
	_ =	sdelay $0x3  }
0x94: {  	_ =	strace s3  }
0x95: {  	s3 =	sld [smem:$0x3FFD];
	_ =	sdelay $0x3  }
0x96: {  	_ =	strace s3  }
0x97: {  	_ =	strace $0x8FFFFFFF  }
0x98: {  	s19 =	sld [smem:$0x3FDB];
	_ =	sdelay $0x1  }
0x99: {  	s4 =	simm.s32 $_scs_section_size  }
0x9a: {  	s5 =	simm.s32 $_size__tile_overlayer_lowered;
	s6 =	simm.s32 $_tile_overlayer_lowered  }
0x9b: {  	s22 =	simm.s32 $0x1BFF;
	s21 =	sshll.u32 s6, $0x1;
	s3 =	sadd.s32 s4, s19  }
0x9c: {  	s7 =	simm.s32 $0x0;
	s20 =	sshll.u32 s5, $0x1;
	s5 =	sadd.s32 s21, s3  }
0x9d: {  	[timem:s7], [sflag:s22] =	dma.local [hbm:s5], s20  }
0x9e: {  	_ =	swait.ge [sflag:s22], s20  }
0x9f: {  	s4 =	ssub.s32 $0x0, s20;
	[sflag:s22] =	ssyncset.done $0x0  }
0xa0: {  	[sflag:s22] =	ssyncadd.s32 s4;
	_ =	sdelay $0x1  }
0xa1: {  	s23 =	simm.s32 $0x1B8B  }
0xa2: {  	_ =	swait.ge [sflag:s23], $0x1  }
0xa3: {  	[sflag:s23] =	ssyncset.done $0x0  }
0xa4: {  	s25 =	simm.s32 $0x1B8E;
	s24 =	sld [smem:$0x3FFE];
	[sflag:s23] =	ssyncadd.s32 $0xFFFFFFFF  }
0xa5: {  	s26 =	simm.s32 $execute0_lowered;
	[smem:$0x3FD2] =	sst s25  }
0xa6: {  	s5 =	sshll.u32 s26, $0x1;
	_ =	strace $0x80000046;
	[dreg:$0x1] =	wrdreg $0xFFFFFFFF  }
0xa7: {  	s28 =	simm.s32 $_size_execute0_lowered;
	s3 =	sadd.s32 s3, s5;
	[dreg:$0x0] =	wrdreg $0x0  }
0xa8: {  	s5 =	sshll.u32 s28, $0x1;
	[dreg:$0x2] =	wrdreg s3  }
0xa9: {  	[dreg:$0x3] =	wrdreg s5  }
0xaa: {  	[dreg:$0x4] =	wrdreg $0xC0  }
0xab: {  	_ =	task [dreg:s7], $0x5FFFF  }
0xac: {  	[dreg:$0x1] =	wrdreg $0xFFFFFFFF  }
0xad: {  	[dreg:$0x0] =	wrdreg $0x60  }
0xae: {  	[dreg:$0x2] =	wrdreg s2  }
0xaf: {  	[dreg:$0x3] =	wrdreg s24  }
0xb0: {  	[dreg:$0x4] =	wrdreg $0x9  }
0xb1: {  	_ =	task.clear_ibuf [dreg:s7], $0x5FFFF;
	_ =	strace $0x90000046  }
0xb2: {  	s29 =	simm.s32 $0x9;
	_ =	strace $0x80000048  }
0xb3: {  	_ =	swait.ge [sflag:s29], $0x1  }
0xb4: {  	[sflag:s29] =	ssyncadd.s32 $0xFFFFFFFF  }
0xb5: {  	_ =	strace $0x90000048  }
0xb6: {  	_ =	sfence  }
0xb7: {  	s30 =	sld [smem:$0x0];
	_ =	sdelay $0x2  }
0xb8: {  	s31 =	sshll.u32 s1, $0xD;
	s1 =	sshrl.u32 s1, $0x2  }
0xb9: {  	s3 =	sand.u32 $0x4000, s31;
	s1 =	sadd.s32 s1, s30  }
0xba: {  	s0 =	sor.u32 s3, s0;
	s1 =	sshll.u32 s1, $0x11  }
0xbb: {  	s0 =	sor.u32 s1, s0  }
0xbc: {  	s0 =	sadd.s32 $0x8F2B, s0  }
0xbd: {  	[sflag:s0] =	ssyncadd.remote.s32 $0x1  }
0xbe: {  	_ =	sfence.sel $0xFFFF  }
0xbf: {  	[dreg:$0x0] =	wrdreg $0xFFFFFFFF;
	(pc) =	sbr.abs _section_cstart, $3  }
0xc0: {  	[dreg:$0x1] =	wrdreg $0xFFFFFFFF  }
0xc1: {  	_ =	task.clear_ibuf [dreg:s7], $0x2FFFF;
	_ =	strace $0x9FFFFFFF  }
0xc2: {  	(tm) =	ssettm $0x7FFFFFFF  }
0xc3: {  	_ =	shalt  }
tec
execute0_lowered:
.L_overlay_start_1:
0x0: {  	(tag) =	ssettag $0x1  }
0x1: {  	s7 =	rddreg [dreg:$0x0];
	s1 =	srdreg.scid  }
0x2: {  	s0 =	stileid.u32;
	s6 =	rddreg [dreg:$0x1];
	s2 =	simm.s32 $0x0  }
0x3: {  	s13 =	simm.s32 $0x1380;
	s14 =	simm.s32 $0x7530;
	s15 =	simm.s32 $0x2710  }
0x4: {  	s16 =	simm.s32 $0x3A90;
	s17 =	simm.s32 $0x1;
	s18 =	simm.s32 $0x2  }
0x5: {  	s19 =	simm.s32 $0x3;
	s20 =	simm.s32 $0x9C40;
	s21 =	simm.s32 $0x4  }
0x6: {  	s22 =	simm.s32 $0x5;
	s23 =	simm.s32 $0x6;
	s24 =	simm.s32 $0xC350  }
0x7: {  	s4 =	sand.u32 $0x1, s1;
	s3 =	sshll.u32 s0, $0x1;
	s1 =	rddreg [dreg:$0x2]  }
0x8: {  	s25 =	simm.s32 $0x0;
	[smem:$0x7FF] =	sst s2;
	s3 =	sor.u32 s4, s3  }
0x9: {  	s10 =	sadd.s32 $0x1200, s6;
	s4 =	ssub.s32 $0x2, s4;
	s5 =	smul.u32 $0x2710, s3  }
0xa: {  	_ =	strace $0x80000047;
	s3 =	sadd.s32 $0x800, s6;
	s8 =	sshrl.u32 s4, $0x1  }
0xb: {  	s6 =	sadd.s32 $0xCE2, s6;
	s11 =	ssub.s32 s4, s8;
	s9 =	sshrl.u32 s5, $0x3  }
0xc: {  	s11 =	smax.u32 s11, $0x1;
	s4 =	sadd.s32 s7, s9;
	s12 =	sadd.s32 $0x9C40, s9  }
0xd: {  	s9 =	sadd.s32 s10, s9;
	s5 =	sadd.s32 $0x270, s4;
	s7 =	sadd.s32 s7, s12  }
0xe: {  	s8 =	sadd.s32 $0x9EB0, s4;
	s10 =	sadd.s32 s10, s12;
	s12 =	simm.s32 $0x4E20  }
.LBB2_1:
0xf: {  	[tilespmem:s12], [sflag:$0x1] =	stream.linear.gather [hbm4b:s3+s2], $0x2710, $0x38;
	[tilespmem:$0xEA60] =	vst v63  }
0x10: {  	_ = 	snop  }
0x11: {  	[tilespmem:s2], [sflag:$0x2] =	stream.linear.gather [hbm4b:s4+s2], $0x1380, $0x38;
	[tilespmem:$0xEA60] =	vst v63  }
0x12: {  	_ = 	snop  }
0x13: {  	[tilespmem:s13], [sflag:$0x3] =	stream.linear.gather [hbm4b:s5+s2], $0x1390, $0x38;
	[tilespmem:$0xEA60] =	vst v63  }
0x14: {  	_ = 	snop  }
0x15: {  	[tilespmem:s14], [sflag:$0x4] =	stream.linear.gather [hbm4b:s6+s2], $0x2710, $0x38;
	[tilespmem:$0xEA60] =	vst v63  }
0x16: {  	_ = 	snop  }
0x17: {  	[tilespmem:s15], [sflag:$0x5] =	stream.linear.gather [hbm4b:s7+s2], $0x1380, $0x38;
	[tilespmem:$0xEA60] =	vst v63  }
0x18: {  	_ = 	snop  }
0x19: {  	[tilespmem:s16], [sflag:$0x6] =	stream.linear.gather [hbm4b:s8+s2], $0x1390, $0x38;
	[tilespmem:$0xEA60] =	vst v63  }
0x1a: {  	_ =	swait.ge [sflag:s17], $0x2710  }
0x1b: {  	[sflag:s17] =	ssyncset.done $0x0  }
0x1c: {  	[sflag:s17] =	ssyncadd.s32 $0xFFFFD8F0  }
0x1d: {  	_ =	swait.ge [sflag:s18], $0x1380  }
0x1e: {  	[sflag:s18] =	ssyncset.done $0x0  }
0x1f: {  	s26 =	simm.s32 $0x40;
	[sflag:s18] =	ssyncadd.s32 $0xFFFFEC80  }
0x20: {  	v0 =	vld [tilespmem:s26+$0x30]  }
0x21: {  	v1 =	vld [tilespmem:s26+$0xFFFFFFD0]  }
0x22: {  	v2 =	vld [tilespmem:s26+$0xFFFFFFE0]  }
0x23: {  	v3 =	vld [tilespmem:s26+$0xFFFFFFF0]  }
0x24: {  	v4 =	vld [tilespmem:s26+$0x0]  }
0x25: {  	v6 =	vld [tilespmem:s26+$0x10]  }
0x26: {  	v7 =	vld [tilespmem:s26+$0x20]  }
0x27: {  	v8 =	vld [tilespmem:s26+$0xFFFFFFC0]  }
0x28: {  	v9 =	vld.idx.msk [tilespmem:v0+s12+$0x0], $0xffff  }
0x29: {  	v10 =	vld.idx.msk [tilespmem:v1+s12+$0x0], $0xffff  }
0x2a: {  	v5 =	vld.idx.msk [tilespmem:v2+s12+$0x0], $0xffff  }
0x2b: {  	v3 =	vld.idx.msk [tilespmem:v3+s12+$0x0], $0xffff  }
0x2c: {  	v0 =	vld.idx.msk [tilespmem:v4+s12+$0x0], $0xffff  }
0x2d: {  	s26 =	simm.s32 $0x9C80;
	v1 =	vld.idx.msk [tilespmem:v6+s12+$0x0], $0xffff  }
0x2e: {  	v2 =	vld.idx.msk [tilespmem:v7+s12+$0x0], $0xffff;
	[tilespmem:s26+$0x30] =	vst v9  }
0x2f: {  	s28 =	simm.s32 $0x0;
	s29 =	simm.s32 $0xC0;
	v4 =	vld.idx.msk [tilespmem:v8+s12+$0x0], $0xffff;
	[tilespmem:s26+$0xFFFFFFD0] =	vst v10  }
.LBB2_2:
0x30: {  	v6 =	vld [tilespmem:s29+$0x30];
	s28 =	sadd.s32 $0x8, s28;
	[tilespmem:s26+$0xFFFFFFE0] =	vst v5  }
0x31: {  	v5 =	vld [tilespmem:s29+$0xFFFFFFD0];
	p0 =	slt.u32 s28, $0x130;
	[tilespmem:s26+$0xFFFFFFF0] =	vst v3  }
0x32: {  	v3 =	vld [tilespmem:s29+$0xFFFFFFE0];
	[tilespmem:s26+$0x0] =	vst v0  }
0x33: {  	v0 =	vld [tilespmem:s29+$0xFFFFFFF0];
	[tilespmem:s26+$0x10] =	vst v1  }
0x34: {  	v1 =	vld [tilespmem:s29+$0x0];
	[tilespmem:s26+$0x20] =	vst v2  }
0x35: {  	v2 =	vld [tilespmem:s29+$0x10];
	[tilespmem:s26+$0xFFFFFFC0] =	vst v4  }
0x36: {  	v4 =	vld [tilespmem:s29+$0x20]  }
0x37: {  	v7 =	vld [tilespmem:s29+$0xFFFFFFC0]  }
0x38: {  	v6 =	vld.idx.msk [tilespmem:v6+s12+$0x0], $0xffff  }
0x39: {  	v8 =	vld.idx.msk [tilespmem:v5+s12+$0x0], $0xffff  }
0x3a: {  	v5 =	vld.idx.msk [tilespmem:v3+s12+$0x0], $0xffff  }
.Ltmp0:
0x3b: {  	v3 =	vld.idx.msk [tilespmem:v0+s12+$0x0], $0xffff;
	(pc) =	sbr.rel @p0 .LBB2_2-.Ltmp0, $4  }
0x3c: {  	v0 =	vld.idx.msk [tilespmem:v1+s12+$0x0], $0xffff  }
0x3d: {  	s26 =	sadd.s32 $0x80, s26;
	v1 =	vld.idx.msk [tilespmem:v2+s12+$0x0], $0xffff  }
0x3e: {  	v2 =	vld.idx.msk [tilespmem:v4+s12+$0x0], $0xffff;
	[tilespmem:s26+$0x30] =	vst v6  }
0x3f: {  	s29 =	sadd.s32 $0x80, s29;
	v4 =	vld.idx.msk [tilespmem:v7+s12+$0x0], $0xffff;
	[tilespmem:s26+$0xFFFFFFD0] =	vst v8  }
0x40: {  	[tilespmem:s26+$0xFFFFFFE0] =	vst v5  }
0x41: {  	[tilespmem:s26+$0xFFFFFFF0] =	vst v3  }
0x42: {  	[tilespmem:s26+$0x0] =	vst v0  }
0x43: {  	[tilespmem:s26+$0x10] =	vst v1  }
0x44: {  	[tilespmem:s26+$0x20] =	vst v2  }
0x45: {  	[tilespmem:s26+$0xFFFFFFC0] =	vst v4  }
0x46: {  	_ =	swait.ge [sflag:s19], $0x1390  }
0x47: {  	[sflag:s19] =	ssyncset.done $0x0  }
0x48: {  	s31 =	simm.s32 $0x13F0;
	[sflag:s19] =	ssyncadd.s32 $0xFFFFEC70  }
0x49: {  	v0 =	vld [tilespmem:s31+$0x0]  }
0x4a: {  	v1 =	vld [tilespmem:s31+$0xFFFFFFA0]  }
0x4b: {  	v2 =	vld [tilespmem:s31+$0xFFFFFFB0]  }
0x4c: {  	v3 =	vld [tilespmem:s31+$0xFFFFFFC0]  }
0x4d: {  	v4 =	vld [tilespmem:s31+$0xFFFFFFD0]  }
0x4e: {  	v6 =	vld [tilespmem:s31+$0xFFFFFFE0]  }
0x4f: {  	v7 =	vld [tilespmem:s31+$0xFFFFFFF0]  }
0x50: {  	v8 =	vld [tilespmem:s31+$0xFFFFFF90]  }
0x51: {  	v9 =	vld.idx.msk [tilespmem:v0+s12+$0x0], $0xffff  }
0x52: {  	v10 =	vld.idx.msk [tilespmem:v1+s12+$0x0], $0xffff  }
0x53: {  	v5 =	vld.idx.msk [tilespmem:v2+s12+$0x0], $0xffff  }
0x54: {  	v3 =	vld.idx.msk [tilespmem:v3+s12+$0x0], $0xffff  }
0x55: {  	v0 =	vld.idx.msk [tilespmem:v4+s12+$0x0], $0xffff  }
0x56: {  	s26 =	simm.s32 $0xB030;
	v1 =	vld.idx.msk [tilespmem:v6+s12+$0x0], $0xffff  }
0x57: {  	v2 =	vld.idx.msk [tilespmem:v7+s12+$0x0], $0xffff;
	[tilespmem:s26+$0x0] =	vst v9  }
0x58: {  	s28 =	simm.s32 $0x138;
	s29 =	simm.s32 $0x1470;
	v4 =	vld.idx.msk [tilespmem:v8+s12+$0x0], $0xffff;
	[tilespmem:s26+$0xFFFFFFA0] =	vst v10  }
.LBB2_4:
0x59: {  	v6 =	vld [tilespmem:s29+$0x0];
	s28 =	sadd.s32 $0x8, s28;
	[tilespmem:s26+$0xFFFFFFB0] =	vst v5  }
0x5a: {  	v5 =	vld [tilespmem:s29+$0xFFFFFFA0];
	p0 =	slt.u32 s28, $0x268;
	[tilespmem:s26+$0xFFFFFFC0] =	vst v3  }
0x5b: {  	v3 =	vld [tilespmem:s29+$0xFFFFFFB0];
	[tilespmem:s26+$0xFFFFFFD0] =	vst v0  }
0x5c: {  	v0 =	vld [tilespmem:s29+$0xFFFFFFC0];
	[tilespmem:s26+$0xFFFFFFE0] =	vst v1  }
0x5d: {  	v1 =	vld [tilespmem:s29+$0xFFFFFFD0];
	[tilespmem:s26+$0xFFFFFFF0] =	vst v2  }
0x5e: {  	v2 =	vld [tilespmem:s29+$0xFFFFFFE0];
	[tilespmem:s26+$0xFFFFFF90] =	vst v4  }
0x5f: {  	v4 =	vld [tilespmem:s29+$0xFFFFFFF0]  }
0x60: {  	v7 =	vld [tilespmem:s29+$0xFFFFFF90]  }
0x61: {  	v6 =	vld.idx.msk [tilespmem:v6+s12+$0x0], $0xffff  }
0x62: {  	v8 =	vld.idx.msk [tilespmem:v5+s12+$0x0], $0xffff  }
0x63: {  	v5 =	vld.idx.msk [tilespmem:v3+s12+$0x0], $0xffff  }
.Ltmp1:
0x64: {  	v3 =	vld.idx.msk [tilespmem:v0+s12+$0x0], $0xffff;
	(pc) =	sbr.rel @p0 .LBB2_4-.Ltmp1, $4  }
0x65: {  	v0 =	vld.idx.msk [tilespmem:v1+s12+$0x0], $0xffff  }
0x66: {  	s26 =	sadd.s32 $0x80, s26;
	v1 =	vld.idx.msk [tilespmem:v2+s12+$0x0], $0xffff  }
0x67: {  	v2 =	vld.idx.msk [tilespmem:v4+s12+$0x0], $0xffff;
	[tilespmem:s26+$0x0] =	vst v6  }
0x68: {  	s29 =	sadd.s32 $0x80, s29;
	v4 =	vld.idx.msk [tilespmem:v7+s12+$0x0], $0xffff;
	[tilespmem:s26+$0xFFFFFFA0] =	vst v8  }
0x69: {  	[tilespmem:s26+$0xFFFFFFB0] =	vst v5  }
0x6a: {  	[tilespmem:s26+$0xFFFFFFC0] =	vst v3  }
0x6b: {  	[tilespmem:s26+$0xFFFFFFD0] =	vst v0  }
0x6c: {  	[tilespmem:s26+$0xFFFFFFE0] =	vst v1  }
0x6d: {  	[tilespmem:s26+$0xFFFFFFF0] =	vst v2  }
0x6e: {  	[tilespmem:s26+$0xFFFFFF90] =	vst v4  }
0x6f: {  	v0 =	vld [tilespmem:$0x2700];
	_ =	sdelay $0x7  }
0x70: {  	v0 =	vld.idx.msk [tilespmem:v0+s12+$0x0], $0xffff;
	_ =	sdelay $0x4  }
0x71: {  	[tilespmem:$0xC340] =	vst v0  }
0x72: {  	[hbm4b:s9+s2] =	stream.linear.scatter [tilespmem:s20], [sflag:$0x2], $0x2710, $0x38;
	[tilespmem:$0xEA60] =	vst v63  }
0x73: {  	_ =	swait.ge [sflag:s21], $0x2710  }
0x74: {  	[sflag:s21] =	ssyncset.done $0x0  }
0x75: {  	[sflag:s21] =	ssyncadd.s32 $0xFFFFD8F0  }
0x76: {  	_ =	swait.ge [sflag:s22], $0x1380  }
0x77: {  	[sflag:s22] =	ssyncset.done $0x0  }
0x78: {  	s31 =	simm.s32 $0x2750;
	[sflag:s22] =	ssyncadd.s32 $0xFFFFEC80  }
0x79: {  	v0 =	vld [tilespmem:s31+$0x30]  }
0x7a: {  	v1 =	vld [tilespmem:s31+$0xFFFFFFD0]  }
0x7b: {  	v2 =	vld [tilespmem:s31+$0xFFFFFFE0]  }
0x7c: {  	v3 =	vld [tilespmem:s31+$0xFFFFFFF0]  }
0x7d: {  	v4 =	vld [tilespmem:s31+$0x0]  }
0x7e: {  	v6 =	vld [tilespmem:s31+$0x10]  }
0x7f: {  	v7 =	vld [tilespmem:s31+$0x20]  }
0x80: {  	v8 =	vld [tilespmem:s31+$0xFFFFFFC0]  }
0x81: {  	v9 =	vld.idx.msk [tilespmem:v0+s14+$0x0], $0xffff  }
0x82: {  	v10 =	vld.idx.msk [tilespmem:v1+s14+$0x0], $0xffff  }
0x83: {  	v5 =	vld.idx.msk [tilespmem:v2+s14+$0x0], $0xffff  }
0x84: {  	v3 =	vld.idx.msk [tilespmem:v3+s14+$0x0], $0xffff  }
0x85: {  	v0 =	vld.idx.msk [tilespmem:v4+s14+$0x0], $0xffff  }
0x86: {  	s26 =	simm.s32 $0xC390;
	v1 =	vld.idx.msk [tilespmem:v6+s14+$0x0], $0xffff  }
0x87: {  	v2 =	vld.idx.msk [tilespmem:v7+s14+$0x0], $0xffff;
	[tilespmem:s26+$0x30] =	vst v9  }
0x88: {  	s28 =	simm.s32 $0x0;
	s29 =	simm.s32 $0x27D0;
	v4 =	vld.idx.msk [tilespmem:v8+s14+$0x0], $0xffff;
	[tilespmem:s26+$0xFFFFFFD0] =	vst v10  }
.LBB2_6:
0x89: {  	v6 =	vld [tilespmem:s29+$0x30];
	s28 =	sadd.s32 $0x8, s28;
	[tilespmem:s26+$0xFFFFFFE0] =	vst v5  }
0x8a: {  	v5 =	vld [tilespmem:s29+$0xFFFFFFD0];
	p0 =	slt.u32 s28, $0x130;
	[tilespmem:s26+$0xFFFFFFF0] =	vst v3  }
0x8b: {  	v3 =	vld [tilespmem:s29+$0xFFFFFFE0];
	[tilespmem:s26+$0x0] =	vst v0  }
0x8c: {  	v0 =	vld [tilespmem:s29+$0xFFFFFFF0];
	[tilespmem:s26+$0x10] =	vst v1  }
0x8d: {  	v1 =	vld [tilespmem:s29+$0x0];
	[tilespmem:s26+$0x20] =	vst v2  }
0x8e: {  	v2 =	vld [tilespmem:s29+$0x10];
	[tilespmem:s26+$0xFFFFFFC0] =	vst v4  }
0x8f: {  	v4 =	vld [tilespmem:s29+$0x20]  }
0x90: {  	v7 =	vld [tilespmem:s29+$0xFFFFFFC0]  }
0x91: {  	v6 =	vld.idx.msk [tilespmem:v6+s14+$0x0], $0xffff  }
0x92: {  	v8 =	vld.idx.msk [tilespmem:v5+s14+$0x0], $0xffff  }
0x93: {  	v5 =	vld.idx.msk [tilespmem:v3+s14+$0x0], $0xffff  }
.Ltmp2:
0x94: {  	v3 =	vld.idx.msk [tilespmem:v0+s14+$0x0], $0xffff;
	(pc) =	sbr.rel @p0 .LBB2_6-.Ltmp2, $4  }
0x95: {  	v0 =	vld.idx.msk [tilespmem:v1+s14+$0x0], $0xffff  }
0x96: {  	s26 =	sadd.s32 $0x80, s26;
	v1 =	vld.idx.msk [tilespmem:v2+s14+$0x0], $0xffff  }
0x97: {  	v2 =	vld.idx.msk [tilespmem:v4+s14+$0x0], $0xffff;
	[tilespmem:s26+$0x30] =	vst v6  }
0x98: {  	s29 =	sadd.s32 $0x80, s29;
	v4 =	vld.idx.msk [tilespmem:v7+s14+$0x0], $0xffff;
	[tilespmem:s26+$0xFFFFFFD0] =	vst v8  }
0x99: {  	[tilespmem:s26+$0xFFFFFFE0] =	vst v5  }
0x9a: {  	[tilespmem:s26+$0xFFFFFFF0] =	vst v3  }
0x9b: {  	[tilespmem:s26+$0x0] =	vst v0  }
0x9c: {  	[tilespmem:s26+$0x10] =	vst v1  }
0x9d: {  	[tilespmem:s26+$0x20] =	vst v2  }
0x9e: {  	[tilespmem:s26+$0xFFFFFFC0] =	vst v4  }
0x9f: {  	_ =	swait.ge [sflag:s23], $0x1390  }
0xa0: {  	[sflag:s23] =	ssyncset.done $0x0  }
0xa1: {  	s31 =	simm.s32 $0x3B00;
	[sflag:s23] =	ssyncadd.s32 $0xFFFFEC70  }
0xa2: {  	v0 =	vld [tilespmem:s31+$0x0]  }
0xa3: {  	v1 =	vld [tilespmem:s31+$0xFFFFFFA0]  }
0xa4: {  	v2 =	vld [tilespmem:s31+$0xFFFFFFB0]  }
0xa5: {  	v3 =	vld [tilespmem:s31+$0xFFFFFFC0]  }
0xa6: {  	v4 =	vld [tilespmem:s31+$0xFFFFFFD0]  }
0xa7: {  	v6 =	vld [tilespmem:s31+$0xFFFFFFE0]  }
0xa8: {  	v7 =	vld [tilespmem:s31+$0xFFFFFFF0]  }
0xa9: {  	v8 =	vld [tilespmem:s31+$0xFFFFFF90]  }
0xaa: {  	v9 =	vld.idx.msk [tilespmem:v0+s14+$0x0], $0xffff  }
0xab: {  	v10 =	vld.idx.msk [tilespmem:v1+s14+$0x0], $0xffff  }
0xac: {  	v5 =	vld.idx.msk [tilespmem:v2+s14+$0x0], $0xffff  }
0xad: {  	v3 =	vld.idx.msk [tilespmem:v3+s14+$0x0], $0xffff  }
0xae: {  	v0 =	vld.idx.msk [tilespmem:v4+s14+$0x0], $0xffff  }
0xaf: {  	s26 =	simm.s32 $0xD740;
	v1 =	vld.idx.msk [tilespmem:v6+s14+$0x0], $0xffff  }
0xb0: {  	v2 =	vld.idx.msk [tilespmem:v7+s14+$0x0], $0xffff;
	[tilespmem:s26+$0x0] =	vst v9  }
0xb1: {  	s28 =	simm.s32 $0x138;
	s29 =	simm.s32 $0x3B80;
	v4 =	vld.idx.msk [tilespmem:v8+s14+$0x0], $0xffff;
	[tilespmem:s26+$0xFFFFFFA0] =	vst v10  }
.LBB2_8:
0xb2: {  	v6 =	vld [tilespmem:s29+$0x0];
	s28 =	sadd.s32 $0x8, s28;
	[tilespmem:s26+$0xFFFFFFB0] =	vst v5  }
0xb3: {  	v5 =	vld [tilespmem:s29+$0xFFFFFFA0];
	p0 =	slt.u32 s28, $0x268;
	[tilespmem:s26+$0xFFFFFFC0] =	vst v3  }
0xb4: {  	v3 =	vld [tilespmem:s29+$0xFFFFFFB0];
	[tilespmem:s26+$0xFFFFFFD0] =	vst v0  }
0xb5: {  	v0 =	vld [tilespmem:s29+$0xFFFFFFC0];
	[tilespmem:s26+$0xFFFFFFE0] =	vst v1  }
0xb6: {  	v1 =	vld [tilespmem:s29+$0xFFFFFFD0];
	[tilespmem:s26+$0xFFFFFFF0] =	vst v2  }
0xb7: {  	v2 =	vld [tilespmem:s29+$0xFFFFFFE0];
	[tilespmem:s26+$0xFFFFFF90] =	vst v4  }
0xb8: {  	v4 =	vld [tilespmem:s29+$0xFFFFFFF0]  }
0xb9: {  	v7 =	vld [tilespmem:s29+$0xFFFFFF90]  }
0xba: {  	v6 =	vld.idx.msk [tilespmem:v6+s14+$0x0], $0xffff  }
0xbb: {  	v8 =	vld.idx.msk [tilespmem:v5+s14+$0x0], $0xffff  }
0xbc: {  	v5 =	vld.idx.msk [tilespmem:v3+s14+$0x0], $0xffff  }
.Ltmp3:
0xbd: {  	v3 =	vld.idx.msk [tilespmem:v0+s14+$0x0], $0xffff;
	(pc) =	sbr.rel @p0 .LBB2_8-.Ltmp3, $4  }
0xbe: {  	v0 =	vld.idx.msk [tilespmem:v1+s14+$0x0], $0xffff  }
0xbf: {  	s26 =	sadd.s32 $0x80, s26;
	v1 =	vld.idx.msk [tilespmem:v2+s14+$0x0], $0xffff  }
0xc0: {  	v2 =	vld.idx.msk [tilespmem:v4+s14+$0x0], $0xffff;
	[tilespmem:s26+$0x0] =	vst v6  }
0xc1: {  	s29 =	sadd.s32 $0x80, s29;
	v4 =	vld.idx.msk [tilespmem:v7+s14+$0x0], $0xffff;
	[tilespmem:s26+$0xFFFFFFA0] =	vst v8  }
0xc2: {  	[tilespmem:s26+$0xFFFFFFB0] =	vst v5  }
0xc3: {  	[tilespmem:s26+$0xFFFFFFC0] =	vst v3  }
0xc4: {  	[tilespmem:s26+$0xFFFFFFD0] =	vst v0  }
0xc5: {  	[tilespmem:s26+$0xFFFFFFE0] =	vst v1  }
0xc6: {  	[tilespmem:s26+$0xFFFFFFF0] =	vst v2  }
0xc7: {  	[tilespmem:s26+$0xFFFFFF90] =	vst v4  }
0xc8: {  	v0 =	vld [tilespmem:$0x4E10];
	_ =	sdelay $0x7  }
0xc9: {  	v0 =	vld.idx.msk [tilespmem:v0+s14+$0x0], $0xffff;
	_ =	sdelay $0x4  }
0xca: {  	s25 =	sadd.s32 $0x1, s25;
	[tilespmem:$0xEA50] =	vst v0  }
0xcb: {  	[hbm4b:s10+s2] =	stream.linear.scatter [tilespmem:s24], [sflag:$0x3], $0x2710, $0x38;
	[tilespmem:$0xEA60] =	vst v63  }
0xcc: {  	p0 =	sne.s32 s25, s11;
	_ =	swait.ge [sflag:s18], $0x2710  }
.Ltmp4:
0xcd: {  	[sflag:s18] =	ssyncset.done $0x0;
	(pc) =	sbr.rel @p0 .LBB2_1-.Ltmp4, $4  }
0xce: {  	[sflag:s18] =	ssyncadd.s32 $0xFFFFD8F0  }
0xcf: {  	_ =	swait.ge [sflag:s19], $0x2710  }
0xd0: {  	[sflag:s19] =	ssyncset.done $0x0  }
0xd1: {  	[sflag:s19] =	ssyncadd.s32 $0xFFFFD8F0  }
0xd2: {  	_ =	sfence.sel $0x180000  }
0xd3: {  	[bflag:$0x0] =	sbarrier.arrive $0xFFFF  }
0xd4: {  	p0 =	sne.s32 s0, $0x0;
	_ =	strace $0x90000047  }
0xd5: {  	s0 =	sadd.s32 @!p0 $0x100000, s1;
	[bflag:$0x2] =	sbarrier.arrive $0xFFFF  }
0xd6: {  	[sflag:s0] =	ssyncadd.tile.s32 @!p0 $0x1;
	_ =	shalt  }
.Lfunc_end2:
_tile_overlayer_lowered:
.L_overlay_start_2:
0xd7: {  	(tag) =	ssettag $0x2  }
0xd8: {  	s0 =	rddreg [dreg:$0x0];
	s2 =	stileid.u32  }
0xd9: {  	s1 =	rddreg [dreg:$0x1];
	p0 =	sne.s32 s2, $0x0  }
0xda: {  	s3 =	rddreg [dreg:$0x2];
	[bflag:$0x3] =	sbarrier.arrive $0xFFFF;
	s2 =	simm.s32 @!p0 $0x1C07  }
0xdb: {  	[timem:s3], [sflag:s2] =	dma.local @!p0 [hbm:s0], s1  }
0xdc: {  	s0 =	simm.s32 @!p0 $0x7  }
0xdd: {  	_ =	swait.ge @!p0 [sflag:s0], s1  }
0xde: {  	s1 =	ssub.s32 @!p0 $0x0, s1;
	[sflag:s0] =	ssyncset.done @!p0 $0x0  }
0xdf: {  	[sflag:s0] =	ssyncadd.s32 @!p0 s1  }
0xe0: {  	[bflag:$0x3] =	sbarrier.arrive $0xFFFF  }
0xe1: {  	_ =	shalt  }

</sc_bundles>
